<compile_context>
chip_gen: v7x
topology: tpu7x:2x2x1
jax: 0.10.2.dev20260603
libtpu: 0.0.44.dev20260713+nightly
codegen_flags: <defaults>
</compile_context>

<pallas_src>
import functools

import jax
import jax.numpy as jnp
from jax import lax
from jax.experimental import pallas as pl
from jax.experimental.pallas import tpu as pltpu
from jax.experimental.pallas import tpu_sc as plsc

_NC = 2
_NS = 16
_NW = _NC * _NS
_GRP = 128
_NBUF = 2
_NPASS = 1
_NSPLIT = 1


@functools.partial(jax.jit, static_argnums=(4, 5))
def _sc_pool(emb, idx2d, tgt3d, zrows, B, DIM):
    groups_w = idx2d.shape[0] // _NW
    bags_w = B // _NW
    gpp = groups_w // _NPASS
    bpp = bags_w // _NPASS
    mesh = plsc.VectorSubcoreMesh(core_axis_name="c", subcore_axis_name="s")

    @functools.partial(
        pl.kernel,
        mesh=mesh,
        out_type=jax.ShapeDtypeStruct((B, DIM), jnp.float32),
        scratch_types=[
            pltpu.VMEM((groups_w, _GRP), jnp.int32),
            pltpu.VMEM((groups_w, _GRP), jnp.int32),
            pltpu.VMEM((_NBUF, _GRP, DIM), jnp.float32),
            pltpu.VMEM_SHARED((_NS * bpp, DIM), jnp.float32),
            pltpu.SemaphoreType.DMA,
            pltpu.SemaphoreType.DMA,
            pltpu.SemaphoreType.DMA,
            pltpu.SemaphoreType.DMA,
            pltpu.SemaphoreType.DMA,
        ],
    )
    def pool(emb_hbm, idx_hbm, tgt_hbm, zrows_hbm, out_hbm,
             idx_v, tgt_v, rows_v, shared_v, gsem0, gsem1, ssem0, ssem1,
             zsem):
        gsems = (gsem0, gsem1)
        ssems = (ssem0, ssem1)
        c = lax.axis_index("c")
        s = lax.axis_index("s")
        wid = c * _NS + s

        pltpu.async_copy(zrows_hbm, shared_v.at[pl.ds(s * bpp, bpp)], zsem)
        pltpu.sync_copy(idx_hbm.at[pl.ds(wid * groups_w, groups_w)], idx_v)
        pltpu.sync_copy(tgt_hbm.at[s], tgt_v)
        pltpu.make_async_copy(
            zrows_hbm, shared_v.at[pl.ds(s * bpp, bpp)], zsem).wait()

        def start_gather(g, b):
            pltpu.async_copy(emb_hbm.at[idx_v.at[g]], rows_v.at[b], gsems[b])

        def wait_gather(g, b):
            pltpu.make_async_copy(
                emb_hbm.at[idx_v.at[g]], rows_v.at[b], gsems[b]).wait()

        def start_scatter(g, b):
            pltpu.async_copy(
                rows_v.at[b], shared_v.at[tgt_v.at[g]], ssems[b], add=True)

        def wait_scatter(g, b):
            pltpu.make_async_copy(
                rows_v.at[b], shared_v.at[tgt_v.at[g]], ssems[b]).wait()

        for b in range(_NBUF):
            start_gather(b, b)

        def ring_span(lo, hi):
            @pl.loop(lo, hi, step=_NBUF)
            def _(g0):
                for b in range(_NBUF):
                    g = g0 + b
                    wait_gather(g, b)
                    start_scatter(g, b)
                    wait_scatter(g, b)
                    nxt = g + _NBUF

                    @pl.when(nxt < groups_w)
                    def _():
                        start_gather(nxt, b)

        def copy_out(p):
            plsc.subcore_barrier()
            pltpu.sync_copy(
                shared_v.at[pl.ds(s * bpp, bpp)],
                out_hbm.at[pl.ds(wid * bags_w + p * bpp, bpp)],
            )

        for p in range(_NPASS):
            ring_span(p * gpp, (p + 1) * gpp)
            if p == _NPASS - 1:
                copy_out(p)
            else:
                copy_out(p)
                pltpu.sync_copy(zrows_hbm, shared_v.at[pl.ds(s * bpp, bpp)])

    return pool(emb, idx2d, tgt3d, zrows)


def _tc_project(pooled, length2d, W, b2d):
    B, DIM = pooled.shape
    HID = W.shape[0]
    BLK = 2048

    def body(p_ref, l_ref, w_ref, b_ref, o_ref):
        recip = 1.0 / l_ref[...].astype(jnp.float32)
        s = p_ref[...] * recip
        o_ref[...] = lax.dot_general(
            s, w_ref[...], (((1,), (1,)), ((), ())),
            preferred_element_type=jnp.float32,
        ) + b_ref[...]

    return pl.pallas_call(
        body,
        grid=(B // BLK,),
        in_specs=[
            pl.BlockSpec((BLK, DIM), lambda i: (i, 0)),
            pl.BlockSpec((BLK, 1), lambda i: (i, 0)),
            pl.BlockSpec((HID, DIM), lambda i: (0, 0)),
            pl.BlockSpec((1, HID), lambda i: (0, 0)),
        ],
        out_specs=pl.BlockSpec((BLK, HID), lambda i: (i, 0)),
        out_shape=jax.ShapeDtypeStruct((B, HID), jnp.float32),
    )(pooled, length2d, W, b2d)


def kernel(x, length, emb, W, b):
    B, L = x.shape
    DIM = emb.shape[1]
    HID = W.shape[0]
    Bh = B // _NSPLIT
    bags_w = Bh // _NW
    bpp = bags_w // _NPASS
    span = (Bh * L // _NW) // _NPASS

    idx2d = x.astype(jnp.int32).reshape(B * L // _GRP, _GRP)
    rows_h = idx2d.shape[0] // _NSPLIT
    f = jnp.arange(Bh * L // _NW, dtype=jnp.int32)
    local = (f % span) // L
    tgt3d = (local[None, :] + bpp * jnp.arange(_NS, dtype=jnp.int32)[:, None]
             ).reshape(_NS, -1, _GRP)
    zrows = jnp.zeros((bpp, DIM), jnp.float32)

    length2d = length.reshape(B, 1)
    b2d = b.reshape(1, HID)
    outs = []
    for h in range(_NSPLIT):
        pooled = _sc_pool(emb, idx2d[h * rows_h:(h + 1) * rows_h],
                          tgt3d, zrows, Bh, DIM)
        outs.append(_tc_project(
            pooled, length2d[h * Bh:(h + 1) * Bh], W, b2d))
    return jnp.concatenate(outs, axis=0)

# --- scband reference (transcript-rebuilt; emitter-appended) ---
"""Pipeline reference for scband-bag-of-words-pretrained-23278722744481 (READ-ONLY COPY).

The authoritative reference and input builder live on the scoring server;
editing this copy changes nothing except your own understanding.
"""

import jax, jax.numpy as jnp
import numpy as np

VOCAB = 100000
DIM = 128
HID = 1024
B = 16384
L = 20
PAD = 0

def setup_inputs(seed: int = 0) -> dict:
    key = jax.random.key(seed)
    k1, k2, k3, k4 = jax.random.split(key, 4)
    x = jax.random.randint(k1, (B, L), 0, VOCAB)
    length = jax.random.randint(k2, (B,), 1, L + 1)
    emb = jax.random.normal(k3, (VOCAB, DIM), dtype=jnp.float32) * 0.02
    emb = emb.at[PAD].set(0.0)  # padding_idx row is zero
    limit = float(np.sqrt(6.0 / (DIM + HID)))  # xavier_uniform
    W = jax.random.uniform(k4, (HID, DIM), minval=-limit, maxval=limit, dtype=jnp.float32)
    b = jnp.zeros((HID,), dtype=jnp.float32)
    return {"x": x, "length": length, "emb": emb, "W": W, "b": b}

def reference(x, length, emb, W, b):
    # x: (B, L) int64; length: (B,) int64
    e = jnp.take(emb, x, axis=0)              # (B, L, DIM) embedding gather
    s = e.sum(axis=1) / length[:, None].astype(jnp.float32)  # bag-of-words mean
    return s @ W.T + b                        # linear projection (B, HID)

if __name__ == "__main__":
    import jax
    _d = setup_inputs()
    print(jax.jit(kernel)(*tuple(_d.values())))

</pallas_src>

<mosaic_0001>
#map = affine_map<(d0, d1) -> (0, 0)>
#map1 = affine_map<(d0, d1) -> (0, 0, 0)>
module attributes {stable_mosaic.version = 14 : i64} {
  func.func @pool(%arg0: i32, %arg1: i32, %arg2: memref<100000x128xf32, #tpu.memory_space<hbm>>, %arg3: memref<2560x128xi32, #tpu.memory_space<hbm>>, %arg4: memref<16x80x128xi32, #tpu.memory_space<hbm>>, %arg5: memref<512x128xf32, #tpu.memory_space<hbm>>, %arg6: memref<16384x128xf32, #tpu.memory_space<hbm>>, %arg7: memref<80x128xi32, #tpu.memory_space<vmem>>, %arg8: memref<80x128xi32, #tpu.memory_space<vmem>>, %arg9: memref<2x128x128xf32, #tpu.memory_space<vmem>>, %arg10: memref<8192x128xf32, #tpu.memory_space<vmem_shared>>, %arg11: memref<!tpu.dma_semaphore, #tpu.memory_space<semaphore_mem>>, %arg12: memref<!tpu.dma_semaphore, #tpu.memory_space<semaphore_mem>>, %arg13: memref<!tpu.dma_semaphore, #tpu.memory_space<semaphore_mem>>, %arg14: memref<!tpu.dma_semaphore, #tpu.memory_space<semaphore_mem>>, %arg15: memref<!tpu.dma_semaphore, #tpu.memory_space<semaphore_mem>>) attributes {dimension_semantics = [#tpu.dimension_semantics<core_parallel>, #tpu.dimension_semantics<subcore_parallel>], iteration_bounds = array<i64: 2, 16>, scalar_prefetch = 0 : i64, scratch_operands = 9 : i64, tpu.core_type = #tpu.core_type<sc_vector_subcore>, window_params = [{transform_indices = #map}, {transform_indices = #map}, {transform_indices = #map1}, {transform_indices = #map}, {transform_indices = #map}]} {
    %mul3A = arith.constant 16 : i32
    %mul3A_0 = arith.muli %arg0, %mul3A : i32
    %add3A = arith.addi %mul3A_0, %arg1 : i32
    %mul3A_1 = arith.constant 512 : i32
    %mul3A_2 = arith.muli %arg1, %mul3A_1 : i32
    %dma_start3A = arith.constant 0 : i32
    %dma_start3A_3 = tpu.memref_slice %arg10[%mul3A_2, %dma_start3A] : memref<8192x128xf32, #tpu.memory_space<vmem_shared>> -> memref<512x128xf32, #tpu.memory_space<vmem_shared>>
    tpu.enqueue_dma source(%arg5 : memref<512x128xf32, #tpu.memory_space<hbm>>) target(%dma_start3A_3 : memref<512x128xf32, #tpu.memory_space<vmem_shared>>) target_semaphore(%arg15 : memref<!tpu.dma_semaphore, #tpu.memory_space<semaphore_mem>>)
    %mul3A_4 = arith.constant 80 : i32
    %mul3A_5 = arith.muli %add3A, %mul3A_4 : i32
    "tpu.region"() ({
      %run_scoped3A = tpu.sem_alloc : memref<!tpu.dma_semaphore, #tpu.memory_space<semaphore_mem>>
      %dma_start3A_43 = arith.constant 0 : i32
      %dma_start3A_44 = tpu.memref_slice %arg3[%mul3A_5, %dma_start3A_43] : memref<2560x128xi32, #tpu.memory_space<hbm>> -> memref<80x128xi32, #tpu.memory_space<hbm>>
      %dma_start3A_45 = arith.constant 0 : i32
      %dma_start3A_46 = tpu.memref_slice %arg3[%mul3A_5, %dma_start3A_45] : memref<2560x128xi32, #tpu.memory_space<hbm>> -> memref<80x128xi32, #tpu.memory_space<hbm>>
      tpu.enqueue_dma source(%dma_start3A_46 : memref<80x128xi32, #tpu.memory_space<hbm>>) target(%arg7 : memref<80x128xi32, #tpu.memory_space<vmem>>) target_semaphore(%run_scoped3A : memref<!tpu.dma_semaphore, #tpu.memory_space<semaphore_mem>>)
      %dma_wait3A_47 = arith.constant 0 : i32
      %dma_wait3A_48 = tpu.memref_slice %arg3[%mul3A_5, %dma_wait3A_47] : memref<2560x128xi32, #tpu.memory_space<hbm>> -> memref<80x128xi32, #tpu.memory_space<hbm>>
      %dma_wait3A_49 = arith.constant 0 : i32
      %dma_wait3A_50 = tpu.memref_slice %arg3[%mul3A_5, %dma_wait3A_49] : memref<2560x128xi32, #tpu.memory_space<hbm>> -> memref<80x128xi32, #tpu.memory_space<hbm>>
      tpu.wait_dma2 semaphore(%run_scoped3A : memref<!tpu.dma_semaphore, #tpu.memory_space<semaphore_mem>>) src(%dma_wait3A_50 : memref<80x128xi32, #tpu.memory_space<hbm>>) dst(%arg7 : memref<80x128xi32, #tpu.memory_space<vmem>>)
      tpu.yield
    }) : () -> ()
    "tpu.region"() ({
      %run_scoped3A = tpu.sem_alloc : memref<!tpu.dma_semaphore, #tpu.memory_space<semaphore_mem>>
      %dma_start3A_43 = arith.constant 0 : i32
      %dma_start3A_44 = arith.constant 0 : i32
      %dma_start3A_45 = tpu.memref_slice %arg4[%arg1, %dma_start3A_43, %dma_start3A_44] : memref<16x80x128xi32, #tpu.memory_space<hbm>> -> memref<1x80x128xi32, #tpu.memory_space<hbm>>
      %dma_start3A_46 = tpu.memref_squeeze %dma_start3A_45 : memref<1x80x128xi32, #tpu.memory_space<hbm>> -> memref<80x128xi32, #tpu.memory_space<hbm>>
      %dma_start3A_47 = arith.constant 0 : i32
      %dma_start3A_48 = arith.constant 0 : i32
      %dma_start3A_49 = tpu.memref_slice %arg4[%arg1, %dma_start3A_47, %dma_start3A_48] : memref<16x80x128xi32, #tpu.memory_space<hbm>> -> memref<1x80x128xi32, #tpu.memory_space<hbm>>
      %dma_start3A_50 = tpu.memref_squeeze %dma_start3A_49 : memref<1x80x128xi32, #tpu.memory_space<hbm>> -> memref<80x128xi32, #tpu.memory_space<hbm>>
      tpu.enqueue_dma source(%dma_start3A_50 : memref<80x128xi32, #tpu.memory_space<hbm>>) target(%arg8 : memref<80x128xi32, #tpu.memory_space<vmem>>) target_semaphore(%run_scoped3A : memref<!tpu.dma_semaphore, #tpu.memory_space<semaphore_mem>>)
      %dma_wait3A_51 = arith.constant 0 : i32
      %dma_wait3A_52 = arith.constant 0 : i32
      %dma_wait3A_53 = tpu.memref_slice %arg4[%arg1, %dma_wait3A_51, %dma_wait3A_52] : memref<16x80x128xi32, #tpu.memory_space<hbm>> -> memref<1x80x128xi32, #tpu.memory_space<hbm>>
      %dma_wait3A_54 = tpu.memref_squeeze %dma_wait3A_53 : memref<1x80x128xi32, #tpu.memory_space<hbm>> -> memref<80x128xi32, #tpu.memory_space<hbm>>
      %dma_wait3A_55 = arith.constant 0 : i32
      %dma_wait3A_56 = arith.constant 0 : i32
      %dma_wait3A_57 = tpu.memref_slice %arg4[%arg1, %dma_wait3A_55, %dma_wait3A_56] : memref<16x80x128xi32, #tpu.memory_space<hbm>> -> memref<1x80x128xi32, #tpu.memory_space<hbm>>
      %dma_wait3A_58 = tpu.memref_squeeze %dma_wait3A_57 : memref<1x80x128xi32, #tpu.memory_space<hbm>> -> memref<80x128xi32, #tpu.memory_space<hbm>>
      tpu.wait_dma2 semaphore(%run_scoped3A : memref<!tpu.dma_semaphore, #tpu.memory_space<semaphore_mem>>) src(%dma_wait3A_58 : memref<80x128xi32, #tpu.memory_space<hbm>>) dst(%arg8 : memref<80x128xi32, #tpu.memory_space<vmem>>)
      tpu.yield
    }) : () -> ()
    %mul3A_6 = arith.constant 512 : i32
    %mul3A_7 = arith.muli %arg1, %mul3A_6 : i32
    %dma_wait3A = arith.constant 0 : i32
    %dma_wait3A_8 = tpu.memref_slice %arg10[%mul3A_7, %dma_wait3A] : memref<8192x128xf32, #tpu.memory_space<vmem_shared>> -> memref<512x128xf32, #tpu.memory_space<vmem_shared>>
    tpu.wait_dma2 semaphore(%arg15 : memref<!tpu.dma_semaphore, #tpu.memory_space<semaphore_mem>>) src(%arg5 : memref<512x128xf32, #tpu.memory_space<hbm>>) dst(%dma_wait3A_8 : memref<512x128xf32, #tpu.memory_space<vmem_shared>>)
    %dma_start3A_9 = arith.constant 0 : i32
    %dma_start3A_10 = arith.constant 0 : i32
    %dma_start3A_11 = arith.constant 0 : i32
    %dma_start3A_12 = arith.constant 0 : i32
    %dma_start3A_13 = tpu.memref_slice %arg9[%dma_start3A_10, %dma_start3A_11, %dma_start3A_12] : memref<2x128x128xf32, #tpu.memory_space<vmem>> -> memref<1x128x128xf32, #tpu.memory_space<vmem>>
    %dma_start3A_14 = tpu.memref_squeeze %dma_start3A_13 : memref<1x128x128xf32, #tpu.memory_space<vmem>> -> memref<128x128xf32, #tpu.memory_space<vmem>>
    %dma_start3A_15 = arith.constant 0 : i32
    %dma_start3A_16 = tpu.memref_slice %arg7[%dma_start3A_9, %dma_start3A_15] : memref<80x128xi32, #tpu.memory_space<vmem>> -> memref<1x128xi32, #tpu.memory_space<vmem>>
    %dma_start3A_17 = tpu.memref_squeeze %dma_start3A_16 : memref<1x128xi32, #tpu.memory_space<vmem>> -> memref<128xi32, #tpu.memory_space<vmem>>
    %dma_start3A_18 = arith.constant 0 : i32
    %dma_start3A_19 = arith.constant 0 : i32
    %dma_start3A_20 = tpu.memref_slice %arg2[%dma_start3A_18, %dma_start3A_19] : memref<100000x128xf32, #tpu.memory_space<hbm>> -> memref<100000x128xf32, #tpu.memory_space<hbm>>
    tpu.enqueue_indirect_dma source(%dma_start3A_20 : memref<100000x128xf32, #tpu.memory_space<hbm>>) target(%dma_start3A_14 : memref<128x128xf32, #tpu.memory_space<vmem>>) offsets(%dma_start3A_17 : memref<128xi32, #tpu.memory_space<vmem>>) semaphore(%arg11 : memref<!tpu.dma_semaphore, #tpu.memory_space<semaphore_mem>>)
    %dma_start3A_21 = arith.constant 1 : i32
    %dma_start3A_22 = arith.constant 1 : i32
    %dma_start3A_23 = arith.constant 0 : i32
    %dma_start3A_24 = arith.constant 0 : i32
    %dma_start3A_25 = tpu.memref_slice %arg9[%dma_start3A_22, %dma_start3A_23, %dma_start3A_24] : memref<2x128x128xf32, #tpu.memory_space<vmem>> -> memref<1x128x128xf32, #tpu.memory_space<vmem>>
    %dma_start3A_26 = tpu.memref_squeeze %dma_start3A_25 : memref<1x128x128xf32, #tpu.memory_space<vmem>> -> memref<128x128xf32, #tpu.memory_space<vmem>>
    %dma_start3A_27 = arith.constant 0 : i32
    %dma_start3A_28 = tpu.memref_slice %arg7[%dma_start3A_21, %dma_start3A_27] : memref<80x128xi32, #tpu.memory_space<vmem>> -> memref<1x128xi32, #tpu.memory_space<vmem>>
    %dma_start3A_29 = tpu.memref_squeeze %dma_start3A_28 : memref<1x128xi32, #tpu.memory_space<vmem>> -> memref<128xi32, #tpu.memory_space<vmem>>
    %dma_start3A_30 = arith.constant 0 : i32
    %dma_start3A_31 = arith.constant 0 : i32
    %dma_start3A_32 = tpu.memref_slice %arg2[%dma_start3A_30, %dma_start3A_31] : memref<100000x128xf32, #tpu.memory_space<hbm>> -> memref<100000x128xf32, #tpu.memory_space<hbm>>
    tpu.enqueue_indirect_dma source(%dma_start3A_32 : memref<100000x128xf32, #tpu.memory_space<hbm>>) target(%dma_start3A_26 : memref<128x128xf32, #tpu.memory_space<vmem>>) offsets(%dma_start3A_29 : memref<128xi32, #tpu.memory_space<vmem>>) semaphore(%arg12 : memref<!tpu.dma_semaphore, #tpu.memory_space<semaphore_mem>>)
    %scan3A = arith.constant 0 : i32
    %scan3A_33 = arith.constant 40 : i32
    %scan3A_34 = arith.addi %scan3A, %scan3A_33 : i32
    %scan3A_35 = arith.constant 1 : i32
    scf.for %scan3A_43 = %scan3A to %scan3A_34 step %scan3A_35  : i32 {
      %mul3A_44 = arith.constant 2 : i32
      %mul3A_45 = arith.muli %scan3A_43, %mul3A_44 : i32
      %add3A_46 = arith.constant 0 : i32
      %add3A_47 = arith.addi %add3A_46, %mul3A_45 : i32
      %add3A_48 = arith.constant 0 : i32
      %add3A_49 = arith.addi %add3A_47, %add3A_48 : i32
      %dma_wait3A_50 = arith.constant 0 : i32
      %dma_wait3A_51 = arith.constant 0 : i32
      %dma_wait3A_52 = arith.constant 0 : i32
      %dma_wait3A_53 = tpu.memref_slice %arg9[%dma_wait3A_50, %dma_wait3A_51, %dma_wait3A_52] : memref<2x128x128xf32, #tpu.memory_space<vmem>> -> memref<1x128x128xf32, #tpu.memory_space<vmem>>
      %dma_wait3A_54 = tpu.memref_squeeze %dma_wait3A_53 : memref<1x128x128xf32, #tpu.memory_space<vmem>> -> memref<128x128xf32, #tpu.memory_space<vmem>>
      %dma_wait3A_55 = arith.constant 0 : i32
      %dma_wait3A_56 = tpu.memref_slice %arg7[%add3A_49, %dma_wait3A_55] : memref<80x128xi32, #tpu.memory_space<vmem>> -> memref<1x128xi32, #tpu.memory_space<vmem>>
      %dma_wait3A_57 = tpu.memref_squeeze %dma_wait3A_56 : memref<1x128xi32, #tpu.memory_space<vmem>> -> memref<128xi32, #tpu.memory_space<vmem>>
      %dma_wait3A_58 = arith.constant 0 : i32
      %dma_wait3A_59 = arith.constant 0 : i32
      %dma_wait3A_60 = tpu.memref_slice %arg2[%dma_wait3A_58, %dma_wait3A_59] : memref<100000x128xf32, #tpu.memory_space<hbm>> -> memref<100000x128xf32, #tpu.memory_space<hbm>>
      tpu.wait_indirect_dma semaphore(%arg11 : memref<!tpu.dma_semaphore, #tpu.memory_space<semaphore_mem>>) src(%dma_wait3A_60 : memref<100000x128xf32, #tpu.memory_space<hbm>>) dst(%dma_wait3A_54 : memref<128x128xf32, #tpu.memory_space<vmem>>)
      %dma_start3A_61 = arith.constant 0 : i32
      %dma_start3A_62 = arith.constant 0 : i32
      %dma_start3A_63 = arith.constant 0 : i32
      %dma_start3A_64 = tpu.memref_slice %arg9[%dma_start3A_61, %dma_start3A_62, %dma_start3A_63] : memref<2x128x128xf32, #tpu.memory_space<vmem>> -> memref<1x128x128xf32, #tpu.memory_space<vmem>>
      %dma_start3A_65 = tpu.memref_squeeze %dma_start3A_64 : memref<1x128x128xf32, #tpu.memory_space<vmem>> -> memref<128x128xf32, #tpu.memory_space<vmem>>
      %dma_start3A_66 = arith.constant 0 : i32
      %dma_start3A_67 = tpu.memref_slice %arg8[%add3A_49, %dma_start3A_66] : memref<80x128xi32, #tpu.memory_space<vmem>> -> memref<1x128xi32, #tpu.memory_space<vmem>>
      %dma_start3A_68 = tpu.memref_squeeze %dma_start3A_67 : memref<1x128xi32, #tpu.memory_space<vmem>> -> memref<128xi32, #tpu.memory_space<vmem>>
      %dma_start3A_69 = arith.constant 0 : i32
      %dma_start3A_70 = arith.constant 0 : i32
      %dma_start3A_71 = tpu.memref_slice %arg10[%dma_start3A_69, %dma_start3A_70] : memref<8192x128xf32, #tpu.memory_space<vmem_shared>> -> memref<8192x128xf32, #tpu.memory_space<vmem_shared>>
      tpu.enqueue_indirect_dma source(%dma_start3A_65 : memref<128x128xf32, #tpu.memory_space<vmem>>) target(%dma_start3A_71 : memref<8192x128xf32, #tpu.memory_space<vmem_shared>>) offsets(%dma_start3A_68 : memref<128xi32, #tpu.memory_space<vmem>>) semaphore(%arg13 : memref<!tpu.dma_semaphore, #tpu.memory_space<semaphore_mem>>) {add = true}
      %dma_wait3A_72 = arith.constant 0 : i32
      %dma_wait3A_73 = arith.constant 0 : i32
      %dma_wait3A_74 = arith.constant 0 : i32
      %dma_wait3A_75 = tpu.memref_slice %arg9[%dma_wait3A_72, %dma_wait3A_73, %dma_wait3A_74] : memref<2x128x128xf32, #tpu.memory_space<vmem>> -> memref<1x128x128xf32, #tpu.memory_space<vmem>>
      %dma_wait3A_76 = tpu.memref_squeeze %dma_wait3A_75 : memref<1x128x128xf32, #tpu.memory_space<vmem>> -> memref<128x128xf32, #tpu.memory_space<vmem>>
      %dma_wait3A_77 = arith.constant 0 : i32
      %dma_wait3A_78 = tpu.memref_slice %arg8[%add3A_49, %dma_wait3A_77] : memref<80x128xi32, #tpu.memory_space<vmem>> -> memref<1x128xi32, #tpu.memory_space<vmem>>
      %dma_wait3A_79 = tpu.memref_squeeze %dma_wait3A_78 : memref<1x128xi32, #tpu.memory_space<vmem>> -> memref<128xi32, #tpu.memory_space<vmem>>
      %dma_wait3A_80 = arith.constant 0 : i32
      %dma_wait3A_81 = arith.constant 0 : i32
      %dma_wait3A_82 = tpu.memref_slice %arg10[%dma_wait3A_80, %dma_wait3A_81] : memref<8192x128xf32, #tpu.memory_space<vmem_shared>> -> memref<8192x128xf32, #tpu.memory_space<vmem_shared>>
      tpu.wait_indirect_dma semaphore(%arg13 : memref<!tpu.dma_semaphore, #tpu.memory_space<semaphore_mem>>) src(%dma_wait3A_76 : memref<128x128xf32, #tpu.memory_space<vmem>>) dst(%dma_wait3A_82 : memref<8192x128xf32, #tpu.memory_space<vmem_shared>>)
      %add3A_83 = arith.constant 2 : i32
      %add3A_84 = arith.addi %add3A_49, %add3A_83 : i32
      %lt3A = arith.constant 80 : i32
      %lt3A_85 = arith.cmpi slt, %add3A_84, %lt3A : i32
      %convert_element_type3A = arith.extui %lt3A_85 : i1 to i32
      %cond3A = arith.constant 0 : i32
      %cond3A_86 = arith.cmpi ne, %convert_element_type3A, %cond3A : i32
      scf.if %cond3A_86 {
        %dma_start3A_129 = arith.constant 0 : i32
        %dma_start3A_130 = arith.constant 0 : i32
        %dma_start3A_131 = arith.constant 0 : i32
        %dma_start3A_132 = tpu.memref_slice %arg9[%dma_start3A_129, %dma_start3A_130, %dma_start3A_131] : memref<2x128x128xf32, #tpu.memory_space<vmem>> -> memref<1x128x128xf32, #tpu.memory_space<vmem>>
        %dma_start3A_133 = tpu.memref_squeeze %dma_start3A_132 : memref<1x128x128xf32, #tpu.memory_space<vmem>> -> memref<128x128xf32, #tpu.memory_space<vmem>>
        %dma_start3A_134 = arith.constant 0 : i32
        %dma_start3A_135 = tpu.memref_slice %arg7[%add3A_84, %dma_start3A_134] : memref<80x128xi32, #tpu.memory_space<vmem>> -> memref<1x128xi32, #tpu.memory_space<vmem>>
        %dma_start3A_136 = tpu.memref_squeeze %dma_start3A_135 : memref<1x128xi32, #tpu.memory_space<vmem>> -> memref<128xi32, #tpu.memory_space<vmem>>
        %dma_start3A_137 = arith.constant 0 : i32
        %dma_start3A_138 = arith.constant 0 : i32
        %dma_start3A_139 = tpu.memref_slice %arg2[%dma_start3A_137, %dma_start3A_138] : memref<100000x128xf32, #tpu.memory_space<hbm>> -> memref<100000x128xf32, #tpu.memory_space<hbm>>
        tpu.enqueue_indirect_dma source(%dma_start3A_139 : memref<100000x128xf32, #tpu.memory_space<hbm>>) target(%dma_start3A_133 : memref<128x128xf32, #tpu.memory_space<vmem>>) offsets(%dma_start3A_136 : memref<128xi32, #tpu.memory_space<vmem>>) semaphore(%arg11 : memref<!tpu.dma_semaphore, #tpu.memory_space<semaphore_mem>>)
      } else {
      }
      %add3A_87 = arith.constant 1 : i32
      %add3A_88 = arith.addi %add3A_47, %add3A_87 : i32
      %dma_wait3A_89 = arith.constant 1 : i32
      %dma_wait3A_90 = arith.constant 0 : i32
      %dma_wait3A_91 = arith.constant 0 : i32
      %dma_wait3A_92 = tpu.memref_slice %arg9[%dma_wait3A_89, %dma_wait3A_90, %dma_wait3A_91] : memref<2x128x128xf32, #tpu.memory_space<vmem>> -> memref<1x128x128xf32, #tpu.memory_space<vmem>>
      %dma_wait3A_93 = tpu.memref_squeeze %dma_wait3A_92 : memref<1x128x128xf32, #tpu.memory_space<vmem>> -> memref<128x128xf32, #tpu.memory_space<vmem>>
      %dma_wait3A_94 = arith.constant 0 : i32
      %dma_wait3A_95 = tpu.memref_slice %arg7[%add3A_88, %dma_wait3A_94] : memref<80x128xi32, #tpu.memory_space<vmem>> -> memref<1x128xi32, #tpu.memory_space<vmem>>
      %dma_wait3A_96 = tpu.memref_squeeze %dma_wait3A_95 : memref<1x128xi32, #tpu.memory_space<vmem>> -> memref<128xi32, #tpu.memory_space<vmem>>
      %dma_wait3A_97 = arith.constant 0 : i32
      %dma_wait3A_98 = arith.constant 0 : i32
      %dma_wait3A_99 = tpu.memref_slice %arg2[%dma_wait3A_97, %dma_wait3A_98] : memref<100000x128xf32, #tpu.memory_space<hbm>> -> memref<100000x128xf32, #tpu.memory_space<hbm>>
      tpu.wait_indirect_dma semaphore(%arg12 : memref<!tpu.dma_semaphore, #tpu.memory_space<semaphore_mem>>) src(%dma_wait3A_99 : memref<100000x128xf32, #tpu.memory_space<hbm>>) dst(%dma_wait3A_93 : memref<128x128xf32, #tpu.memory_space<vmem>>)
      %dma_start3A_100 = arith.constant 1 : i32
      %dma_start3A_101 = arith.constant 0 : i32
      %dma_start3A_102 = arith.constant 0 : i32
      %dma_start3A_103 = tpu.memref_slice %arg9[%dma_start3A_100, %dma_start3A_101, %dma_start3A_102] : memref<2x128x128xf32, #tpu.memory_space<vmem>> -> memref<1x128x128xf32, #tpu.memory_space<vmem>>
      %dma_start3A_104 = tpu.memref_squeeze %dma_start3A_103 : memref<1x128x128xf32, #tpu.memory_space<vmem>> -> memref<128x128xf32, #tpu.memory_space<vmem>>
      %dma_start3A_105 = arith.constant 0 : i32
      %dma_start3A_106 = tpu.memref_slice %arg8[%add3A_88, %dma_start3A_105] : memref<80x128xi32, #tpu.memory_space<vmem>> -> memref<1x128xi32, #tpu.memory_space<vmem>>
      %dma_start3A_107 = tpu.memref_squeeze %dma_start3A_106 : memref<1x128xi32, #tpu.memory_space<vmem>> -> memref<128xi32, #tpu.memory_space<vmem>>
      %dma_start3A_108 = arith.constant 0 : i32
      %dma_start3A_109 = arith.constant 0 : i32
      %dma_start3A_110 = tpu.memref_slice %arg10[%dma_start3A_108, %dma_start3A_109] : memref<8192x128xf32, #tpu.memory_space<vmem_shared>> -> memref<8192x128xf32, #tpu.memory_space<vmem_shared>>
      tpu.enqueue_indirect_dma source(%dma_start3A_104 : memref<128x128xf32, #tpu.memory_space<vmem>>) target(%dma_start3A_110 : memref<8192x128xf32, #tpu.memory_space<vmem_shared>>) offsets(%dma_start3A_107 : memref<128xi32, #tpu.memory_space<vmem>>) semaphore(%arg14 : memref<!tpu.dma_semaphore, #tpu.memory_space<semaphore_mem>>) {add = true}
      %dma_wait3A_111 = arith.constant 1 : i32
      %dma_wait3A_112 = arith.constant 0 : i32
      %dma_wait3A_113 = arith.constant 0 : i32
      %dma_wait3A_114 = tpu.memref_slice %arg9[%dma_wait3A_111, %dma_wait3A_112, %dma_wait3A_113] : memref<2x128x128xf32, #tpu.memory_space<vmem>> -> memref<1x128x128xf32, #tpu.memory_space<vmem>>
      %dma_wait3A_115 = tpu.memref_squeeze %dma_wait3A_114 : memref<1x128x128xf32, #tpu.memory_space<vmem>> -> memref<128x128xf32, #tpu.memory_space<vmem>>
      %dma_wait3A_116 = arith.constant 0 : i32
      %dma_wait3A_117 = tpu.memref_slice %arg8[%add3A_88, %dma_wait3A_116] : memref<80x128xi32, #tpu.memory_space<vmem>> -> memref<1x128xi32, #tpu.memory_space<vmem>>
      %dma_wait3A_118 = tpu.memref_squeeze %dma_wait3A_117 : memref<1x128xi32, #tpu.memory_space<vmem>> -> memref<128xi32, #tpu.memory_space<vmem>>
      %dma_wait3A_119 = arith.constant 0 : i32
      %dma_wait3A_120 = arith.constant 0 : i32
      %dma_wait3A_121 = tpu.memref_slice %arg10[%dma_wait3A_119, %dma_wait3A_120] : memref<8192x128xf32, #tpu.memory_space<vmem_shared>> -> memref<8192x128xf32, #tpu.memory_space<vmem_shared>>
      tpu.wait_indirect_dma semaphore(%arg14 : memref<!tpu.dma_semaphore, #tpu.memory_space<semaphore_mem>>) src(%dma_wait3A_115 : memref<128x128xf32, #tpu.memory_space<vmem>>) dst(%dma_wait3A_121 : memref<8192x128xf32, #tpu.memory_space<vmem_shared>>)
      %add3A_122 = arith.constant 2 : i32
      %add3A_123 = arith.addi %add3A_88, %add3A_122 : i32
      %lt3A_124 = arith.constant 80 : i32
      %lt3A_125 = arith.cmpi slt, %add3A_123, %lt3A_124 : i32
      %convert_element_type3A_126 = arith.extui %lt3A_125 : i1 to i32
      %cond3A_127 = arith.constant 0 : i32
      %cond3A_128 = arith.cmpi ne, %convert_element_type3A_126, %cond3A_127 : i32
      scf.if %cond3A_128 {
        %dma_start3A_129 = arith.constant 1 : i32
        %dma_start3A_130 = arith.constant 0 : i32
        %dma_start3A_131 = arith.constant 0 : i32
        %dma_start3A_132 = tpu.memref_slice %arg9[%dma_start3A_129, %dma_start3A_130, %dma_start3A_131] : memref<2x128x128xf32, #tpu.memory_space<vmem>> -> memref<1x128x128xf32, #tpu.memory_space<vmem>>
        %dma_start3A_133 = tpu.memref_squeeze %dma_start3A_132 : memref<1x128x128xf32, #tpu.memory_space<vmem>> -> memref<128x128xf32, #tpu.memory_space<vmem>>
        %dma_start3A_134 = arith.constant 0 : i32
        %dma_start3A_135 = tpu.memref_slice %arg7[%add3A_123, %dma_start3A_134] : memref<80x128xi32, #tpu.memory_space<vmem>> -> memref<1x128xi32, #tpu.memory_space<vmem>>
        %dma_start3A_136 = tpu.memref_squeeze %dma_start3A_135 : memref<1x128xi32, #tpu.memory_space<vmem>> -> memref<128xi32, #tpu.memory_space<vmem>>
        %dma_start3A_137 = arith.constant 0 : i32
        %dma_start3A_138 = arith.constant 0 : i32
        %dma_start3A_139 = tpu.memref_slice %arg2[%dma_start3A_137, %dma_start3A_138] : memref<100000x128xf32, #tpu.memory_space<hbm>> -> memref<100000x128xf32, #tpu.memory_space<hbm>>
        tpu.enqueue_indirect_dma source(%dma_start3A_139 : memref<100000x128xf32, #tpu.memory_space<hbm>>) target(%dma_start3A_133 : memref<128x128xf32, #tpu.memory_space<vmem>>) offsets(%dma_start3A_136 : memref<128xi32, #tpu.memory_space<vmem>>) semaphore(%arg12 : memref<!tpu.dma_semaphore, #tpu.memory_space<semaphore_mem>>)
      } else {
      }
    }
    %scan3A_36 = arith.constant 40 : i32
    %barrier3A = arith.constant 0 : index
    tpu.barrier barrier_id(%barrier3A)
    %mul3A_37 = arith.constant 512 : i32
    %mul3A_38 = arith.muli %arg1, %mul3A_37 : i32
    %mul3A_39 = arith.constant 512 : i32
    %mul3A_40 = arith.muli %add3A, %mul3A_39 : i32
    %add3A_41 = arith.constant 0 : i32
    %add3A_42 = arith.addi %mul3A_40, %add3A_41 : i32
    "tpu.region"() ({
      %run_scoped3A = tpu.sem_alloc : memref<!tpu.dma_semaphore, #tpu.memory_space<semaphore_mem>>
      %dma_start3A_43 = arith.constant 0 : i32
      %dma_start3A_44 = tpu.memref_slice %arg6[%add3A_42, %dma_start3A_43] : memref<16384x128xf32, #tpu.memory_space<hbm>> -> memref<512x128xf32, #tpu.memory_space<hbm>>
      %dma_start3A_45 = arith.constant 0 : i32
      %dma_start3A_46 = tpu.memref_slice %arg10[%mul3A_38, %dma_start3A_45] : memref<8192x128xf32, #tpu.memory_space<vmem_shared>> -> memref<512x128xf32, #tpu.memory_space<vmem_shared>>
      tpu.enqueue_dma source(%dma_start3A_46 : memref<512x128xf32, #tpu.memory_space<vmem_shared>>) target(%dma_start3A_44 : memref<512x128xf32, #tpu.memory_space<hbm>>) target_semaphore(%run_scoped3A : memref<!tpu.dma_semaphore, #tpu.memory_space<semaphore_mem>>)
      %dma_wait3A_47 = arith.constant 0 : i32
      %dma_wait3A_48 = tpu.memref_slice %arg6[%add3A_42, %dma_wait3A_47] : memref<16384x128xf32, #tpu.memory_space<hbm>> -> memref<512x128xf32, #tpu.memory_space<hbm>>
      %dma_wait3A_49 = arith.constant 0 : i32
      %dma_wait3A_50 = tpu.memref_slice %arg10[%mul3A_38, %dma_wait3A_49] : memref<8192x128xf32, #tpu.memory_space<vmem_shared>> -> memref<512x128xf32, #tpu.memory_space<vmem_shared>>
      tpu.wait_dma2 semaphore(%run_scoped3A : memref<!tpu.dma_semaphore, #tpu.memory_space<semaphore_mem>>) src(%dma_wait3A_50 : memref<512x128xf32, #tpu.memory_space<vmem_shared>>) dst(%dma_wait3A_48 : memref<512x128xf32, #tpu.memory_space<hbm>>)
      tpu.yield
    }) : () -> ()
    return
  }
}

</mosaic_0001>

<sc_bundles>
// kernel: _sc_pool.3.cloned.1.call-start
scs
__scs_entry_jumppad:
0x0: {  	(pc) =	sbr.rel $0x88, $3  }
0x1: {  	(tag) =	ssettag $0x0;
	lr =	simm.s32 $0x1  }
0x2: {  	[smem:$0x3F9D] =	sst lr;
	_ =	strace $0xD0000000  }
0x3: {  	_ = 	snop  }
0x4: {  	_ = 	snop  }
0x5: {  	_ = 	snop  }
0x6: {  	_ = 	snop  }
0x7: {  	_ = 	snop  }
__scs_overlays_trampoline_lowered:
0x8: {  	[smem:$0x3FAC] =	sst s0  }
0x9: {  	[smem:$0x3FAD] =	sst s1  }
0xa: {  	[smem:$0x3FAE] =	sst s2  }
0xb: {  	[smem:$0x3FAF] =	sst s3  }
0xc: {  	[smem:$0x3FB0] =	sst s4  }
0xd: {  	[smem:$0x3FB1] =	sst s5  }
0xe: {  	[smem:$0x3FB2] =	sst s6  }
0xf: {  	[smem:$0x3FB3] =	sst s7  }
0x10: {  	[smem:$0x3FB4] =	sst s8  }
0x11: {  	[smem:$0x3FB5] =	sst s9;
	s0 =	simm.s32 @!p0 $0x0  }
0x12: {  	s1 =	sld [smem:$0x3F9B];
	s0 =	simm.s32 @p0 $0x1  }
0x13: {  	[smem:$0x3FB6] =	sst s0;
	s0 =	simm.s32 @!p1 $0x0  }
0x14: {  	s2 =	sld [smem:$0x3F9A];
	s0 =	simm.s32 @p1 $0x1  }
0x15: {  	[smem:$0x3FB7] =	sst s0;
	s0 =	simm.s32 @!p2 $0x0  }
0x16: {  	s3 =	sld [smem:$0x3FDB];
	s0 =	simm.s32 @p2 $0x1  }
0x17: {  	s4 =	simm.s32 $0x1BF5;
	[smem:$0x3FB9] =	sst s0  }
0x18: {  	s0 =	sld [smem:$0x3F9C];
	_ =	swait.ge [sflag:s4], $0x0  }
0x19: {  	s7 =	sld [smem:$0x3F9D]  }
0x1a: {  	s8 =	sadd.s32 $0xFFFFE003, lr  }
0x1b: {  	s9 =	sadd.s32 $0xFFFFFEF7, lr;
	s5 =	simm.s32 $0xFFFFFFFF;
	p2 =	slt.u32 s8, $0xFFFFF086  }
0x1c: {  	p1 =	slt.u32 s9, $0xF7A;
	s5 =	simm.s32 @!p2 $0x0  }
0x1d: {  	s5 =	simm.s32 @p1 $0x1;
	p0 =	seq.s32 s7, s2  }
0x1e: {  	s7 =	smul.u32 @!p0 $0xF7A, s2;
	p2 =	seq.s32 @!p0 s5, $0x0  }
0x1f: {  	s9 =	smul.u32 $0xF7A, s1;
	s8 =	simm.s32 @!p0 $0x1BF5;
	p2 =	por !p2, p0  }
0x20: {  	[sflag:s8] =	ssyncset.s32 @!p0 $0xFFFFF086;
	s6 =	sadd.s32 @!p0 s3, s7;
	s7 =	simm.s32 @!p0 $0x108  }
0x21: {  	s3 =	sadd.s32 s3, s9;
	s6 =	sadd.s32 @!p0 $0x88, s6;
	s7 =	simm.s32 @p2 $0x1082  }
0x22: {  	[simem:s7], [sflag:s8] =	dma.local @!p0 [hbm:s6], $0xF7A  }
0x23: {  	s9 =	sor.u32 $0xD0000000, s2;
	s6 =	simm.s32 $0x108;
	_ =	swait.ge @!p0 [sflag:s8], $0x0  }
0x24: {  	s3 =	sadd.s32 $0x88, s3;
	s6 =	simm.s32 @!p1 $0x1082;
	[sflag:s4] =	ssyncset.s32 $0xFFFFF086  }
0x25: {  	[simem:s6], [sflag:s4] =	dma.local [hbm:s3], $0xF7A  }
0x26: {  	[smem:$0x3F9D] =	sst s1;
	(tag) =	ssettag s2;
	_ =	strace s9  }
0x27: {  	s1 =	sld [smem:$0x3FAD]  }
0x28: {  	s2 =	sld [smem:$0x3FAE]  }
0x29: {  	s4 =	sld [smem:$0x3FB0]  }
0x2a: {  	p0 =	seq.s32 s5, $0x0;
	s5 =	sld [smem:$0x3FB1]  }
0x2b: {  	s6 =	sld [smem:$0x3FB2]  }
0x2c: {  	s7 =	sld [smem:$0x3FB3]  }
0x2d: {  	s3 =	simm.s32 $0x108;
	s8 =	sld [smem:$0x3FB4]  }
0x2e: {  	s3 =	simm.s32 @!p0 $0x1082;
	s9 =	sld [smem:$0x3FB5]  }
0x2f: {  	lr =	sadd.s32 s0, s3;
	s0 =	sld [smem:$0x3FAC]  }
0x30: {  	s3 =	sld [smem:$0x3FAF]  }
0x31: {  	[smem:$0x3FB8] =	sst s10  }
0x32: {  	s10 =	sld [smem:$0x3FB6];
	_ =	sdelay $0x3  }
0x33: {  	p0 =	seq.s32 s10, $0x1;
	s10 =	sld [smem:$0x3FB8];
	_ =	sdelay $0x3  }
0x34: {  	[smem:$0x3FB8] =	sst s10  }
0x35: {  	s10 =	sld [smem:$0x3FB7];
	_ =	sdelay $0x3  }
0x36: {  	p1 =	seq.s32 s10, $0x1;
	s10 =	sld [smem:$0x3FB8];
	_ =	sdelay $0x3  }
0x37: {  	[smem:$0x3FB8] =	sst s10  }
0x38: {  	s10 =	sld [smem:$0x3FB9]  }
0x39: {  	_ = 	snop;
	(pc) =	sbr.ind lr, $3  }
0x3a: {  	_ = 	snop  }
0x3b: {  	_ = 	snop  }
0x3c: {  	p2 =	seq.s32 s10, $0x1;
	s10 =	sld [smem:$0x3FB8]  }
0x3d: {  	_ =	shalt  }
0x3e: {  	_ =	shalt  }
0x3f: {  	_ =	shalt  }
0x40: {  	_ =	shalt  }
0x41: {  	_ =	shalt  }
0x42: {  	_ =	shalt  }
0x43: {  	_ =	shalt  }
0x44: {  	_ =	shalt  }
0x45: {  	_ =	shalt  }
0x46: {  	_ =	shalt  }
0x47: {  	_ =	shalt  }
0x48: {  	_ =	shalt  }
0x49: {  	_ =	shalt  }
0x4a: {  	_ =	shalt  }
0x4b: {  	_ =	shalt  }
0x4c: {  	_ =	shalt  }
0x4d: {  	_ =	shalt  }
0x4e: {  	_ =	shalt  }
0x4f: {  	_ =	shalt  }
0x50: {  	_ =	shalt  }
0x51: {  	_ =	shalt  }
0x52: {  	_ =	shalt  }
0x53: {  	_ =	shalt  }
0x54: {  	_ =	shalt  }
0x55: {  	_ =	shalt  }
0x56: {  	_ =	shalt  }
0x57: {  	_ =	shalt  }
0x58: {  	_ =	shalt  }
0x59: {  	_ =	shalt  }
0x5a: {  	_ =	shalt  }
0x5b: {  	_ =	shalt  }
0x5c: {  	_ =	shalt  }
0x5d: {  	_ =	shalt  }
0x5e: {  	_ =	shalt  }
0x5f: {  	_ =	shalt  }
0x60: {  	_ =	shalt  }
0x61: {  	_ =	shalt  }
0x62: {  	_ =	shalt  }
0x63: {  	_ =	shalt  }
0x64: {  	_ =	shalt  }
0x65: {  	_ =	shalt  }
0x66: {  	_ =	shalt  }
0x67: {  	_ =	shalt  }
0x68: {  	_ =	shalt  }
0x69: {  	_ =	shalt  }
0x6a: {  	_ =	shalt  }
0x6b: {  	_ =	shalt  }
0x6c: {  	_ =	shalt  }
0x6d: {  	_ =	shalt  }
0x6e: {  	_ =	shalt  }
0x6f: {  	_ =	shalt  }
0x70: {  	_ =	shalt  }
0x71: {  	_ =	shalt  }
0x72: {  	_ =	shalt  }
0x73: {  	_ =	shalt  }
0x74: {  	_ =	shalt  }
0x75: {  	_ =	shalt  }
0x76: {  	_ =	shalt  }
0x77: {  	_ =	shalt  }
0x78: {  	_ =	shalt  }
0x79: {  	_ =	shalt  }
0x7a: {  	_ =	shalt  }
0x7b: {  	_ =	shalt  }
0x7c: {  	_ =	shalt  }
0x7d: {  	_ =	shalt  }
0x7e: {  	_ =	shalt  }
0x7f: {  	_ =	shalt  }
0x80: {  	_ =	shalt  }
0x81: {  	_ =	shalt  }
0x82: {  	_ =	shalt  }
0x83: {  	_ =	shalt  }
0x84: {  	_ =	shalt  }
0x85: {  	_ =	shalt  }
0x86: {  	_ =	shalt  }
0x87: {  	_ =	shalt  }
.Lfunc_end0:
.L_simem_size_0:
called_computation_lowered:
.L_overlay_start_0:
0x88: {  	s2 =	sld [smem:$0x3FD9]  }
0x89: {  	s3 =	sld [smem:$0x3FFE];
	_ =	sdelay $0x1  }
0x8a: {  	s1 =	srdreg.scid  }
0x8b: {  	s0 =	sand.u32 $0x1, s1  }
0x8c: {  	s18 =	sshll.u32 s0, $0xA;
	s2 =	sadd.s32 s3, s2  }
0x8d: {  	s2 =	sadd.s32 s2, s18  }
0x8e: {  	[smem:$0x3FC4] =	sst s2  }
0x8f: {  	_ = 	snop  }
0x90: {  	s2 =	sld [smem:$0x3FC9]  }
0x91: {  	s19 =	sld [smem:$0x3FC8]  }
0x92: {  	s4 =	sld [smem:$0x3FC7]  }
0x93: {  	s5 =	sld [smem:$0x3FC6]  }
0x94: {  	s6 =	sld [smem:$0x3FD0];
	(tm) =	ssettm $0x1  }
0x95: {  	s7 =	sld [smem:$0x3FFB];
	_ =	sdelay $0x3  }
0x96: {  	_ =	strace s7  }
0x97: {  	s7 =	sld [smem:$0x3FFC];
	_ =	sdelay $0x3  }
0x98: {  	_ =	strace s7  }
0x99: {  	s7 =	sld [smem:$0x3FFD];
	_ =	sdelay $0x3  }
0x9a: {  	_ =	strace s7  }
0x9b: {  	_ =	strace $0x8FFFFFFF  }
0x9c: {  	s20 =	sld [smem:$0x3FDB];
	_ =	sdelay $0x1  }
0x9d: {  	s8 =	simm.s32 $_scs_section_size  }
0x9e: {  	s9 =	simm.s32 $_size__tile_overlayer_lowered;
	s10 =	simm.s32 $_tile_overlayer_lowered  }
0x9f: {  	s23 =	simm.s32 $0x1BFF;
	s22 =	sshll.u32 s10, $0x1;
	s7 =	sadd.s32 s8, s20  }
0xa0: {  	s11 =	simm.s32 $0x0;
	s21 =	sshll.u32 s9, $0x1;
	s9 =	sadd.s32 s22, s7  }
0xa1: {  	[timem:s11], [sflag:s23] =	dma.local [hbm:s9], s21  }
0xa2: {  	_ =	swait.ge [sflag:s23], s21  }
0xa3: {  	s8 =	ssub.s32 $0x0, s21;
	[sflag:s23] =	ssyncset.done $0x0  }
0xa4: {  	[sflag:s23] =	ssyncadd.s32 s8;
	_ =	sdelay $0x1  }
0xa5: {  	s24 =	simm.s32 $0x1B8B  }
0xa6: {  	_ =	swait.ge [sflag:s24], $0x1  }
0xa7: {  	[sflag:s24] =	ssyncset.done $0x0  }
0xa8: {  	s25 =	simm.s32 $0x1B8E;
	[sflag:s24] =	ssyncadd.s32 $0xFFFFFFFF  }
0xa9: {  	s26 =	simm.s32 $execute0_lowered;
	[smem:$0x3FD2] =	sst s25  }
0xaa: {  	s8 =	sshll.u32 s26, $0x1;
	_ =	strace $0x80000046;
	[dreg:$0x1] =	wrdreg $0xFFFFFFFF  }
0xab: {  	s28 =	simm.s32 $_size_execute0_lowered;
	s7 =	sadd.s32 s7, s8;
	[dreg:$0x0] =	wrdreg $0x0  }
0xac: {  	s8 =	sshll.u32 s28, $0x1;
	[dreg:$0x2] =	wrdreg s7  }
0xad: {  	[dreg:$0x3] =	wrdreg s8  }
0xae: {  	[dreg:$0x4] =	wrdreg $0xC0  }
0xaf: {  	_ =	task [dreg:s11], $0x5FFFF  }
0xb0: {  	[dreg:$0x1] =	wrdreg $0xFFFFFFFF  }
0xb1: {  	[dreg:$0x0] =	wrdreg $0x60  }
0xb2: {  	[dreg:$0x2] =	wrdreg s2  }
0xb3: {  	[dreg:$0x3] =	wrdreg s19  }
0xb4: {  	[dreg:$0x4] =	wrdreg s4  }
0xb5: {  	[dreg:$0x5] =	wrdreg s5  }
0xb6: {  	[dreg:$0x6] =	wrdreg s6  }
0xb7: {  	[dreg:$0x7] =	wrdreg $0xD0000  }
0xb8: {  	[dreg:$0x8] =	wrdreg $0x9  }
0xb9: {  	_ =	task.clear_ibuf [dreg:s11], $0x9FFFF;
	_ =	strace $0x90000046  }
0xba: {  	s29 =	simm.s32 $0x9;
	_ =	strace $0x80000048  }
0xbb: {  	_ =	swait.ge [sflag:s29], $0x1  }
0xbc: {  	[sflag:s29] =	ssyncadd.s32 $0xFFFFFFFF  }
0xbd: {  	_ =	strace $0x90000048  }
0xbe: {  	_ =	sfence  }
0xbf: {  	s30 =	sld [smem:$0x0];
	_ =	sdelay $0x2  }
0xc0: {  	s31 =	sshll.u32 s1, $0xD;
	s1 =	sshrl.u32 s1, $0x2  }
0xc1: {  	s3 =	sand.u32 $0x4000, s31;
	s1 =	sadd.s32 s1, s30  }
0xc2: {  	s0 =	sor.u32 s3, s0;
	s1 =	sshll.u32 s1, $0x11  }
0xc3: {  	s0 =	sor.u32 s1, s0  }
0xc4: {  	s0 =	sadd.s32 $0x8F2B, s0  }
0xc5: {  	[sflag:s0] =	ssyncadd.remote.s32 $0x1  }
0xc6: {  	_ =	sfence.sel $0xFFFF  }
0xc7: {  	[dreg:$0x0] =	wrdreg $0xFFFFFFFF;
	(pc) =	sbr.abs _section_cstart, $3  }
0xc8: {  	[dreg:$0x1] =	wrdreg $0xFFFFFFFF  }
0xc9: {  	_ =	task.clear_ibuf [dreg:s11], $0x2FFFF;
	_ =	strace $0x9FFFFFFF  }
0xca: {  	(tm) =	ssettm $0x7FFFFFFF  }
0xcb: {  	_ =	shalt  }
tec
execute0_lowered:
.L_overlay_start_1:
0x0: {  	(tag) =	ssettag $0x1  }
0x1: {  	s1 =	rddreg [dreg:$0x0]  }
0x2: {  	s7 =	rddreg [dreg:$0x1]  }
0x3: {  	s8 =	rddreg [dreg:$0x2]  }
0x4: {  	s2 =	rddreg [dreg:$0x3]  }
0x5: {  	s9 =	rddreg [dreg:$0x4]  }
0x6: {  	s3 =	rddreg [dreg:$0x5]  }
0x7: {  	s0 =	rddreg [dreg:$0x6];
	s5 =	simm.s32 $0x0  }
0x8: {  	s4 =	srdreg.scid;
	s15 =	simm.s32 $0x80;
	s16 =	simm.s32 $0x5000  }
0x9: {  	s17 =	simm.s32 $0x9000;
	s18 =	simm.s32 $0x1;
	s19 =	simm.s32 $0x3  }
0xa: {  	s20 =	simm.s32 $0x2;
	s21 =	simm.s32 $0x4;
	s22 =	simm.s32 $0x4F00  }
0xb: {  	s23 =	simm.s32 $0x4F80;
	s25 =	simm.s32 $0x0;
	s6 =	sand.u32 $0x1, s4  }
0xc: {  	[smem:$0x7FF] =	sst s5;
	s4 =	stileid.u32;
	s10 =	ssub.s32 $0x2, s6  }
0xd: {  	s6 =	sshll.u32 s6, $0x4;
	_ =	strace $0x80000047;
	s29 =	sshll.u32 s4, $0x10  }
0xe: {  	s24 =	sshll.u32 s4, $0x6;
	s14 =	smul.u32 $0x500, s4;
	s11 =	sshrl.u32 s10, $0x1  }
0xf: {  	s12 =	sor.u32 s4, s6;
	s13 =	sadd.s32 s29, s3;
	s6 =	sor.u32 $0x1C05, s24  }
0x10: {  	s24 =	sor.u32 $0x1C06, s24;
	s10 =	ssub.s32 s10, s11;
	s30 =	smul.u32 $0x500, s12  }
0x11: {  	s31 =	sshll.u32 s12, $0xD;
	s8 =	sadd.s32 s8, s14;
	s11 =	sshrl.u32 s13, $0x3  }
0x12: {  	s12 =	simm.s32 $0x6;
	s13 =	simm.s32 $0x2800;
	s14 =	simm.s32 $0x5  }
0x13: {  	s9 =	sadd.s32 s9, s31;
	s10 =	smax.u32 s10, $0x1;
	s7 =	sadd.s32 s7, s30  }
.LBB2_1:
0x14: {  	[spmem:s11], [sflag:s6] =	dma.local [hbm:s2], $0x2000  }
0x15: {  	[tilespmem:s5], [sflag:$0x6] =	stream.linear.gather [hbm4b:s7+s5], $0x2800, $0x38;
	[tilespmem:$0x1D000] =	vst v63  }
0x16: {  	_ =	swait.ge [sflag:s12], $0x2800  }
0x17: {  	[sflag:s12] =	ssyncset.done $0x0  }
0x18: {  	[sflag:s12] =	ssyncadd.s32 $0xFFFFD800  }
0x19: {  	[tilespmem:s13], [sflag:$0x6] =	stream.linear.gather [hbm4b:s8+s5], $0x2800, $0x38;
	[tilespmem:$0x1D000] =	vst v63  }
0x1a: {  	_ =	swait.ge [sflag:s12], $0x2800  }
0x1b: {  	[sflag:s12] =	ssyncset.done $0x0  }
0x1c: {  	[sflag:s12] =	ssyncadd.s32 $0xFFFFD800  }
0x1d: {  	_ =	swait.ge [sflag:s14], $0x2000  }
0x1e: {  	[sflag:s14] =	ssyncset.done $0x0  }
0x1f: {  	[sflag:s14] =	ssyncadd.s32 $0xFFFFE000  }
0x20: {  	[tilespmem:s16], [sflag:$0x1] =	stream.indirect.gather [hbm4b:s1+s15], $0x80, s5, s15, $0xb8;
	[tilespmem:$0x1D000] =	vst v63  }
0x21: {  	_ = 	snop  }
0x22: {  	[tilespmem:s17], [sflag:$0x2] =	stream.indirect.gather [hbm4b:s1+s15], $0x80, s15, s15, $0xb8;
	[tilespmem:$0x1D000] =	vst v63  }
0x23: {  	_ =	swait.ge [sflag:s18], $0x4000  }
0x24: {  	[sflag:s18] =	ssyncset.done $0x0  }
0x25: {  	s26 =	simm.s32 $0x2800;
	[sflag:s18] =	ssyncadd.s32 $0xFFFFC000  }
0x26: {  	[spmem:s3] =	stream.indirect.scatter.add.f32 [tilespmem:s16], [sflag:$0x3], $0x80, s26, s15, $0xb8;
	[tilespmem:$0x1D000] =	vst v63  }
0x27: {  	_ =	swait.ge [sflag:s19], $0x4000  }
0x28: {  	[sflag:s19] =	ssyncset.done $0x0  }
0x29: {  	s30 =	simm.s32 $0x100;
	[sflag:s19] =	ssyncadd.s32 $0xFFFFC000  }
0x2a: {  	[tilespmem:s16], [sflag:$0x1] =	stream.indirect.gather [hbm4b:s1+s15], $0x80, s30, s15, $0xb8;
	[tilespmem:$0x1D000] =	vst v63  }
0x2b: {  	_ =	swait.ge [sflag:s20], $0x4000  }
0x2c: {  	[sflag:s20] =	ssyncset.done $0x0  }
0x2d: {  	s31 =	simm.s32 $0x2880;
	[sflag:s20] =	ssyncadd.s32 $0xFFFFC000  }
0x2e: {  	[spmem:s3] =	stream.indirect.scatter.add.f32 [tilespmem:s17], [sflag:$0x4], $0x80, s31, s15, $0xb8;
	[tilespmem:$0x1D000] =	vst v63  }
0x2f: {  	_ =	swait.ge [sflag:s21], $0x4000  }
0x30: {  	[sflag:s21] =	ssyncset.done $0x0  }
0x31: {  	s28 =	simm.s32 $0x180;
	s26 =	simm.s32 $0x400;
	[sflag:s21] =	ssyncadd.s32 $0xFFFFC000  }
.LBB2_2:
0x32: {  	[tilespmem:s17], [sflag:$0x2] =	stream.indirect.gather [hbm4b:s1+s15], $0x80, s28, s15, $0xb8;
	[tilespmem:$0x1D000] =	vst v63  }
0x33: {  	s28 =	smov.u32 s26  }
0x34: {  	p0 =	sne.s32 s26, $0x9800;
	s26 =	sadd.s32 $0x400, s26;
	_ =	swait.ge [sflag:s18], $0x4000  }
0x35: {  	s28 =	sshra.s32 s28, $0x2;
	[sflag:s18] =	ssyncset.done $0x0  }
0x36: {  	s29 =	sadd.s32 $0x2800, s28;
	[sflag:s18] =	ssyncadd.s32 $0xFFFFC000  }
0x37: {  	[spmem:s3] =	stream.indirect.scatter.add.f32 [tilespmem:s16], [sflag:$0x3], $0x80, s29, s15, $0xb8;
	[tilespmem:$0x1D000] =	vst v63  }
0x38: {  	_ =	swait.ge [sflag:s19], $0x4000  }
0x39: {  	[sflag:s19] =	ssyncset.done $0x0  }
0x3a: {  	s29 =	sadd.s32 $0x100, s28;
	[sflag:s19] =	ssyncadd.s32 $0xFFFFC000  }
0x3b: {  	[tilespmem:s16], [sflag:$0x1] =	stream.indirect.gather [hbm4b:s1+s15], $0x80, s29, s15, $0xb8;
	[tilespmem:$0x1D000] =	vst v63  }
0x3c: {  	_ =	swait.ge [sflag:s20], $0x4000  }
0x3d: {  	[sflag:s20] =	ssyncset.done $0x0  }
.Ltmp0:
0x3e: {  	s29 =	sadd.s32 $0x2880, s28;
	[sflag:s20] =	ssyncadd.s32 $0xFFFFC000;
	(pc) =	sbr.rel @p0 .LBB2_2-.Ltmp0, $4  }
0x3f: {  	[spmem:s3] =	stream.indirect.scatter.add.f32 [tilespmem:s17], [sflag:$0x4], $0x80, s29, s15, $0xb8;
	[tilespmem:$0x1D000] =	vst v63  }
0x40: {  	_ =	swait.ge [sflag:s21], $0x4000  }
0x41: {  	[sflag:s21] =	ssyncset.done $0x0  }
0x42: {  	s28 =	sadd.s32 $0x180, s28;
	[sflag:s21] =	ssyncadd.s32 $0xFFFFC000  }
0x43: {  	[tilespmem:s17], [sflag:$0x2] =	stream.indirect.gather [hbm4b:s1+s15], $0x80, s28, s15, $0xb8;
	[tilespmem:$0x1D000] =	vst v63  }
0x44: {  	_ =	swait.ge [sflag:s18], $0x4000  }
0x45: {  	[sflag:s18] =	ssyncset.done $0x0  }
0x46: {  	[sflag:s18] =	ssyncadd.s32 $0xFFFFC000  }
0x47: {  	[spmem:s3] =	stream.indirect.scatter.add.f32 [tilespmem:s16], [sflag:$0x3], $0x80, s22, s15, $0xb8;
	[tilespmem:$0x1D000] =	vst v63  }
0x48: {  	_ =	swait.ge [sflag:s19], $0x4000  }
0x49: {  	[sflag:s19] =	ssyncset.done $0x0  }
0x4a: {  	[sflag:s19] =	ssyncadd.s32 $0xFFFFC000  }
0x4b: {  	_ =	swait.ge [sflag:s20], $0x4000  }
0x4c: {  	[sflag:s20] =	ssyncset.done $0x0  }
0x4d: {  	[sflag:s20] =	ssyncadd.s32 $0xFFFFC000  }
0x4e: {  	[spmem:s3] =	stream.indirect.scatter.add.f32 [tilespmem:s17], [sflag:$0x4], $0x80, s23, s15, $0xb8;
	[tilespmem:$0x1D000] =	vst v63  }
0x4f: {  	_ =	swait.ge [sflag:s21], $0x4000  }
0x50: {  	s25 =	sadd.s32 $0x1, s25;
	[sflag:s21] =	ssyncset.done $0x0  }
0x51: {  	p0 =	sne.s32 s25, s10;
	[sflag:s21] =	ssyncadd.s32 $0xFFFFC000  }
.Ltmp1:
0x52: {  	[bflag:$0x0] =	sbarrier.arrive $0xFFFF;
	(pc) =	sbr.rel @p0 .LBB2_1-.Ltmp1, $4  }
0x53: {  	[hbm:s9], [sflag:s24] =	dma.local [spmem:s11], $0x2000  }
0x54: {  	_ =	swait.ge [sflag:s12], $0x2000  }
0x55: {  	[sflag:s12] =	ssyncset.done $0x0  }
0x56: {  	[sflag:s12] =	ssyncadd.s32 $0xFFFFE000  }
0x57: {  	_ =	sfence.sel $0x180000  }
0x58: {  	[bflag:$0x0] =	sbarrier.arrive $0xFFFF  }
0x59: {  	p0 =	sne.s32 s4, $0x0;
	_ =	strace $0x90000047  }
0x5a: {  	s0 =	sadd.s32 @!p0 $0x100000, s0;
	[bflag:$0x2] =	sbarrier.arrive $0xFFFF  }
0x5b: {  	[sflag:s0] =	ssyncadd.tile.s32 @!p0 $0x1;
	_ =	shalt  }
.Lfunc_end2:
_tile_overlayer_lowered:
.L_overlay_start_2:
0x5c: {  	(tag) =	ssettag $0x2  }
0x5d: {  	s0 =	rddreg [dreg:$0x0];
	s2 =	stileid.u32  }
0x5e: {  	s1 =	rddreg [dreg:$0x1];
	p0 =	sne.s32 s2, $0x0  }
0x5f: {  	s3 =	rddreg [dreg:$0x2];
	[bflag:$0x3] =	sbarrier.arrive $0xFFFF;
	s2 =	simm.s32 @!p0 $0x1C06  }
0x60: {  	[timem:s3], [sflag:s2] =	dma.local @!p0 [hbm:s0], s1  }
0x61: {  	s0 =	simm.s32 @!p0 $0x6  }
0x62: {  	_ =	swait.ge @!p0 [sflag:s0], s1  }
0x63: {  	s1 =	ssub.s32 @!p0 $0x0, s1;
	[sflag:s0] =	ssyncset.done @!p0 $0x0  }
0x64: {  	[sflag:s0] =	ssyncadd.s32 @!p0 s1  }
0x65: {  	[bflag:$0x3] =	sbarrier.arrive $0xFFFF  }
0x66: {  	_ =	shalt  }

</sc_bundles>
